<compile_context>
chip_gen: v7x
topology: tpu7x:2x2x1
jax: 0.10.2.dev20260603
libtpu: 0.0.44.dev20260713+nightly
codegen_flags: <defaults>
</compile_context>

<pallas_src>
import jax
import jax.numpy as jnp
from jax.experimental import pallas as pl
from jax.experimental.pallas import tpu as pltpu

_BOOK_SIZE = 1024
_LATENT = 256
_BLK = 512


def _vq_block_kernel(pq_ref, x_ref, book_ref, prob_ref, logp_ref, zq_ref):
    pq = pq_ref[0, 0]
    x = x_ref[...]
    bk = book_ref[...]
    g = jax.lax.dot_general(x, bk, (((1,), (1,)), ((), ())),
                            preferred_element_type=jnp.float32)
    xx = jnp.sum(x * x, axis=1, keepdims=True)
    bb = jnp.sum(bk * bk, axis=1)[None, :]
    dist = (xx + bb) - 2.0 * g
    logits = -dist * pq
    m = jnp.max(logits, axis=1, keepdims=True)
    e = jnp.exp(logits - m)
    s = jnp.sum(e, axis=1, keepdims=True)
    prob_ref[...] = e / s
    logp_ref[...] = (logits - m) - jnp.log(s)
    iota = jax.lax.broadcasted_iota(jnp.int32, (x.shape[0], _BOOK_SIZE), 1)
    masked = jnp.where(logits == m, iota, _BOOK_SIZE)
    idx = jnp.min(masked, axis=1, keepdims=True)
    onehot = (iota == idx).astype(jnp.float32)
    zq_ref[...] = jax.lax.dot_general(onehot, bk, (((1,), (0,)), ((), ())),
                                      preferred_element_type=jnp.float32)


def kernel(ze, book, log_param_q, is_train):
    b, n_pts, latent_ndim = ze.shape
    param_q = 1.0 + jnp.exp(log_param_q)
    precision_q = 0.5 / jnp.maximum(param_q, 1e-10)
    x = jnp.transpose(ze, (0, 2, 1)).reshape(-1, latent_ndim)
    rows = x.shape[0]
    pq_arr = jnp.reshape(precision_q, (1, 1))
    grid = (rows // _BLK,)
    prob, logp, zq = pl.pallas_call(
        _vq_block_kernel,
        grid=grid,
        in_specs=[
            pl.BlockSpec((1, 1), lambda i: (0, 0)),
            pl.BlockSpec((_BLK, _LATENT), lambda i: (i, 0)),
            pl.BlockSpec((_BOOK_SIZE, _LATENT), lambda i: (0, 0)),
        ],
        out_specs=[
            pl.BlockSpec((_BLK, _BOOK_SIZE), lambda i: (i, 0)),
            pl.BlockSpec((_BLK, _BOOK_SIZE), lambda i: (i, 0)),
            pl.BlockSpec((_BLK, _LATENT), lambda i: (i, 0)),
        ],
        out_shape=[
            jax.ShapeDtypeStruct((rows, _BOOK_SIZE), jnp.float32),
            jax.ShapeDtypeStruct((rows, _BOOK_SIZE), jnp.float32),
            jax.ShapeDtypeStruct((rows, latent_ndim), jnp.float32),
        ],
        compiler_params=pltpu.CompilerParams(
            dimension_semantics=("parallel",),
        ),
    )(pq_arr, x, book)
    zq = jnp.transpose(zq.reshape(b, latent_ndim, n_pts), (0, 2, 1))
    prob = prob.reshape(b, n_pts, _BOOK_SIZE)
    logp = logp.reshape(b, n_pts, _BOOK_SIZE)
    return (zq, precision_q, prob, logp)

# --- scband reference (transcript-rebuilt; emitter-appended) ---
"""Pipeline reference for scband-gaussian-vector-quantizer-45947560132661 (READ-ONLY COPY).

The authoritative reference and input builder live on the scoring server;
editing this copy changes nothing except your own understanding.
"""

import jax, jax.numpy as jnp
import numpy as np

BOOK_SIZE = 1024
LATENT_NDIM = 256
B = 64
N_PTS = 576
PARAM_Q_INIT = 20.0


def setup_inputs(seed: int = 0) -> dict:
    key = jax.random.key(seed)
    k1, k2 = jax.random.split(key)
    ze = jax.random.normal(k1, (B, N_PTS, LATENT_NDIM), dtype=jnp.float32)
    book = jax.random.normal(k2, (BOOK_SIZE, LATENT_NDIM), dtype=jnp.float32)
    log_param_q = jnp.asarray(np.log(PARAM_Q_INIT), dtype=jnp.float32)
    return {"ze": ze, "book": book, "log_param_q": log_param_q, "is_train": 0}


def _calc_distance(z, book):
    z = z.reshape(-1, LATENT_NDIM)
    return (jnp.sum(z ** 2, axis=1, keepdims=True)
            + jnp.sum(book ** 2, axis=1)
            - 2.0 * (z @ book.T))


def reference(ze, book, log_param_q, is_train):
    b, n_pts, latent_ndim = ze.shape
    param_q = 1.0 + jnp.exp(log_param_q)
    precision_q = 0.5 / jnp.maximum(param_q, 1e-10)
    # faithful to torch: permute then flat view (mixes dims exactly like the original)
    ze_p = jnp.transpose(ze, (0, 2, 1))
    logits = -_calc_distance(ze_p, book) * precision_q
    prob = jax.nn.softmax(logits, axis=-1)
    log_prob = jax.nn.log_softmax(logits, axis=-1)
    # is_train is False (eval path): hard argmax + scatter one-hot
    indices = jnp.argmax(logits, axis=1)
    rows = indices.shape[0]
    encodings = jnp.zeros((rows, BOOK_SIZE), dtype=logits.dtype).at[jnp.arange(rows), indices].set(1.0)
    zq = (encodings @ book).reshape(b, latent_ndim, n_pts)
    zq = jnp.transpose(zq, (0, 2, 1))
    prob = prob.reshape(b, n_pts, BOOK_SIZE)
    log_prob = log_prob.reshape(b, n_pts, BOOK_SIZE)
    return (zq, precision_q, prob, log_prob)

if __name__ == "__main__":
    import jax
    _d = setup_inputs()
    print(jax.jit(kernel)(*tuple(_d.values())))

</pallas_src>

<mosaic_0001>
module attributes {stable_mosaic.version = 14 : i64} {
  func.func @_vq_block_kernel(%arg0: i32, %arg1: memref<1x1xf32, #tpu.memory_space<vmem>>, %arg2: memref<512x256xf32, #tpu.memory_space<vmem>>, %arg3: memref<1024x256xf32, #tpu.memory_space<vmem>>, %arg4: memref<512x1024xf32, #tpu.memory_space<vmem>>, %arg5: memref<512x1024xf32, #tpu.memory_space<vmem>>, %arg6: memref<512x256xf32, #tpu.memory_space<vmem>>) attributes {dimension_semantics = [#tpu.dimension_semantics<parallel>], iteration_bounds = array<i64: 72>, scalar_prefetch = 0 : i64, scratch_operands = 0 : i64, tpu.core_type = #tpu.core_type<tc>, window_params = [{pipeline_mode = #tpu.pipeline_mode<synchronous>, transform_indices = @transform_0, window_bounds = array<i64: 1, 1>}, {transform_indices = @transform_1, window_bounds = array<i64: 512, 256>}, {pipeline_mode = #tpu.pipeline_mode<synchronous>, transform_indices = @transform_2, window_bounds = array<i64: 1024, 256>}, {transform_indices = @transform_3, window_bounds = array<i64: 512, 1024>}, {transform_indices = @transform_4, window_bounds = array<i64: 512, 1024>}, {transform_indices = @transform_5, window_bounds = array<i64: 512, 256>}]} {
    %get3A = arith.constant 0 : index
    %get3A_0 = arith.constant 0 : index
    %get3A_1 = vector.load %arg1[%get3A, %get3A_0] : memref<1x1xf32, #tpu.memory_space<vmem>>, vector<1x1xf32>
    %get3A_2 = vector.extract %get3A_1[0, 0] : f32 from vector<1x1xf32>
    %get3A_3 = arith.constant 0 : index
    %get3A_4 = arith.constant 0 : index
    %get3A_5 = vector.load %arg2[%get3A_3, %get3A_4] : memref<512x256xf32, #tpu.memory_space<vmem>>, vector<512x256xf32>
    %get3A_6 = arith.constant 0 : index
    %get3A_7 = arith.constant 0 : index
    %get3A_8 = vector.load %arg3[%get3A_6, %get3A_7] : memref<1024x256xf32, #tpu.memory_space<vmem>>, vector<1024x256xf32>
    %dot_general3A = arith.constant dense<0.000000e+00> : vector<512x1024xf32>
    %dot_general3A_9 = tpu.matmul %get3A_5, %get3A_8, %dot_general3A {dimension_numbers = #tpu.dot_dimension_numbers<[1], [1], [0], [0], [0, 0, 1, 0], [], []>, transpose_lhs_hint = false} : vector<512x256xf32>, vector<1024x256xf32>, vector<512x1024xf32> -> vector<512x1024xf32>
    %mul3A = arith.mulf %get3A_5, %get3A_5 : vector<512x256xf32>
    %reduce_sum3A = arith.constant dense<0.000000e+00> : vector<512xf32>
    %reduce_sum3A_10 = vector.multi_reduction <add>, %mul3A, %reduce_sum3A [1] : vector<512x256xf32> to vector<512xf32>
    %broadcast_in_dim3A = vector.shape_cast %reduce_sum3A_10 : vector<512xf32> to vector<512x1xf32>
    %mul3A_11 = arith.mulf %get3A_8, %get3A_8 : vector<1024x256xf32>
    %reduce_sum3A_12 = arith.constant dense<0.000000e+00> : vector<1024xf32>
    %reduce_sum3A_13 = vector.multi_reduction <add>, %mul3A_11, %reduce_sum3A_12 [1] : vector<1024x256xf32> to vector<1024xf32>
    %broadcast_in_dim3A_14 = vector.shape_cast %reduce_sum3A_13 : vector<1024xf32> to vector<1x1024xf32>
    %add3A = vector.broadcast %broadcast_in_dim3A : vector<512x1xf32> to vector<512x1024xf32>
    %add3A_15 = vector.broadcast %broadcast_in_dim3A_14 : vector<1x1024xf32> to vector<512x1024xf32>
    %add3A_16 = arith.addf %add3A, %add3A_15 : vector<512x1024xf32>
    %mul3A_17 = arith.constant 2.000000e+00 : f32
    %mul3A_18 = vector.broadcast %mul3A_17 : f32 to vector<512x1024xf32>
    %mul3A_19 = arith.mulf %mul3A_18, %dot_general3A_9 : vector<512x1024xf32>
    %sub3A = arith.subf %add3A_16, %mul3A_19 : vector<512x1024xf32>
    %neg3A = arith.constant 0.000000e+00 : f32
    %neg3A_20 = vector.broadcast %neg3A : f32 to vector<512x1024xf32>
    %neg3A_21 = arith.subf %neg3A_20, %sub3A : vector<512x1024xf32>
    %mul3A_22 = vector.broadcast %get3A_2 : f32 to vector<512x1024xf32>
    %mul3A_23 = arith.mulf %neg3A_21, %mul3A_22 : vector<512x1024xf32>
    %reduce_max3A = arith.constant dense<0xFF800000> : vector<512xf32>
    %reduce_max3A_24 = vector.multi_reduction <maximumf>, %mul3A_23, %reduce_max3A [1] : vector<512x1024xf32> to vector<512xf32>
    %broadcast_in_dim3A_25 = vector.shape_cast %reduce_max3A_24 : vector<512xf32> to vector<512x1xf32>
    %sub3A_26 = vector.broadcast %broadcast_in_dim3A_25 : vector<512x1xf32> to vector<512x1024xf32>
    %sub3A_27 = arith.subf %mul3A_23, %sub3A_26 : vector<512x1024xf32>
    %exp3A = math.exp %sub3A_27 : vector<512x1024xf32>
    %reduce_sum3A_28 = arith.constant dense<0.000000e+00> : vector<512xf32>
    %reduce_sum3A_29 = vector.multi_reduction <add>, %exp3A, %reduce_sum3A_28 [1] : vector<512x1024xf32> to vector<512xf32>
    %broadcast_in_dim3A_30 = vector.shape_cast %reduce_sum3A_29 : vector<512xf32> to vector<512x1xf32>
    %div3A = vector.broadcast %broadcast_in_dim3A_30 : vector<512x1xf32> to vector<512x1024xf32>
    %div3A_31 = arith.divf %exp3A, %div3A : vector<512x1024xf32>
    %swap3A = arith.constant 0 : index
    %swap3A_32 = arith.constant 0 : index
    %swap3A_33 = vector.load %arg4[%swap3A, %swap3A_32] : memref<512x1024xf32, #tpu.memory_space<vmem>>, vector<512x1024xf32>
    tpu.vector_store %arg4[%swap3A, %swap3A_32], %div3A_31 {strides = array<i32>} : memref<512x1024xf32, #tpu.memory_space<vmem>>, vector<512x1024xf32>,
    %sub3A_34 = vector.broadcast %broadcast_in_dim3A_25 : vector<512x1xf32> to vector<512x1024xf32>
    %sub3A_35 = arith.subf %mul3A_23, %sub3A_34 : vector<512x1024xf32>
    %log3A = math.log %broadcast_in_dim3A_30 : vector<512x1xf32>
    %sub3A_36 = vector.broadcast %log3A : vector<512x1xf32> to vector<512x1024xf32>
    %sub3A_37 = arith.subf %sub3A_35, %sub3A_36 : vector<512x1024xf32>
    %swap3A_38 = arith.constant 0 : index
    %swap3A_39 = arith.constant 0 : index
    %swap3A_40 = vector.load %arg5[%swap3A_38, %swap3A_39] : memref<512x1024xf32, #tpu.memory_space<vmem>>, vector<512x1024xf32>
    tpu.vector_store %arg5[%swap3A_38, %swap3A_39], %sub3A_37 {strides = array<i32>} : memref<512x1024xf32, #tpu.memory_space<vmem>>, vector<512x1024xf32>,
    %iota3A = tpu.iota {dimensions = array<i32: 1>} : vector<512x1024xi32>
    %eq3A = vector.broadcast %broadcast_in_dim3A_25 : vector<512x1xf32> to vector<512x1024xf32>
    %eq3A_41 = arith.cmpf oeq, %mul3A_23, %eq3A : vector<512x1024xf32>
    %jit3A = arith.constant 1024 : i32
    %broadcast_in_dim3A_42 = vector.broadcast %jit3A : i32 to vector<512x1024xi32>
    %select_n3A = arith.select %eq3A_41, %iota3A, %broadcast_in_dim3A_42 : vector<512x1024xi1>, vector<512x1024xi32>
    %reduce_min3A = arith.constant dense<2147483647> : vector<512xi32>
    %reduce_min3A_43 = vector.multi_reduction <minsi>, %select_n3A, %reduce_min3A [1] : vector<512x1024xi32> to vector<512xi32>
    %broadcast_in_dim3A_44 = vector.shape_cast %reduce_min3A_43 : vector<512xi32> to vector<512x1xi32>
    %eq3A_45 = vector.broadcast %broadcast_in_dim3A_44 : vector<512x1xi32> to vector<512x1024xi32>
    %eq3A_46 = arith.cmpi eq, %iota3A, %eq3A_45 : vector<512x1024xi32>
    %convert_element_type3A = arith.extui %eq3A_46 : vector<512x1024xi1> to vector<512x1024xi32>
    %convert_element_type3A_47 = arith.sitofp %convert_element_type3A : vector<512x1024xi32> to vector<512x1024xf32>
    %dot_general3A_48 = arith.constant dense<0.000000e+00> : vector<512x256xf32>
    %dot_general3A_49 = tpu.matmul %convert_element_type3A_47, %get3A_8, %dot_general3A_48 {dimension_numbers = #tpu.dot_dimension_numbers<[1], [0], [0], [1], [0, 0, 1, 1], [], []>, transpose_lhs_hint = false} : vector<512x1024xf32>, vector<1024x256xf32>, vector<512x256xf32> -> vector<512x256xf32>
    %swap3A_50 = arith.constant 0 : index
    %swap3A_51 = arith.constant 0 : index
    %swap3A_52 = vector.load %arg6[%swap3A_50, %swap3A_51] : memref<512x256xf32, #tpu.memory_space<vmem>>, vector<512x256xf32>
    tpu.vector_store %arg6[%swap3A_50, %swap3A_51], %dot_general3A_49 {strides = array<i32>} : memref<512x256xf32, #tpu.memory_space<vmem>>, vector<512x256xf32>,
    return
  }
  func.func @transform_0(%arg0: i32) -> (i32, i32) {
    %c0_i32 = arith.constant 0 : i32
    %c0_i32_0 = arith.constant 0 : i32
    %c0_i32_1 = arith.constant 0 : i32
    return %c0_i32, %c0_i32_0 : i32, i32
  }
  func.func @transform_1(%arg0: i32) -> (i32, i32) {
    %c0_i32 = arith.constant 0 : i32
    %c0_i32_0 = arith.constant 0 : i32
    return %arg0, %c0_i32 : i32, i32
  }
  func.func @transform_2(%arg0: i32) -> (i32, i32) {
    %c0_i32 = arith.constant 0 : i32
    %c0_i32_0 = arith.constant 0 : i32
    %c0_i32_1 = arith.constant 0 : i32
    return %c0_i32, %c0_i32_0 : i32, i32
  }
  func.func @transform_3(%arg0: i32) -> (i32, i32) {
    %c0_i32 = arith.constant 0 : i32
    %c0_i32_0 = arith.constant 0 : i32
    return %arg0, %c0_i32 : i32, i32
  }
  func.func @transform_4(%arg0: i32) -> (i32, i32) {
    %c0_i32 = arith.constant 0 : i32
    %c0_i32_0 = arith.constant 0 : i32
    return %arg0, %c0_i32 : i32, i32
  }
  func.func @transform_5(%arg0: i32) -> (i32, i32) {
    %c0_i32 = arith.constant 0 : i32
    %c0_i32_0 = arith.constant 0 : i32
    return %arg0, %c0_i32 : i32, i32
  }
}

</mosaic_0001>

<sc_bundles>
// kernel: sparse-core-data-format-call.1.cloned.1.call-start
scs
called_computation.1_lowered:
.L_overlay_start_0:
0x0: {  	s2 =	sld [smem:$0x3FD9]  }
0x1: {  	s3 =	sld [smem:$0x3FFE];
	_ =	sdelay $0x1  }
0x2: {  	s1 =	srdreg.scid  }
0x3: {  	s0 =	sand.u32 $0x1, s1  }
0x4: {  	s16 =	sshll.u32 s0, $0xA;
	s2 =	sadd.s32 s3, s2  }
0x5: {  	s2 =	sadd.s32 s2, s16  }
0x6: {  	[smem:$0x3FC5] =	sst s2  }
0x7: {  	_ = 	snop  }
0x8: {  	s2 =	sld [smem:$0x3FD0];
	_ =	sdelay $0x2  }
0x9: {  	s4 =	simm.s32 $0xA;
	s5 =	simm.s32 $0x10;
	s17 =	sld [smem:$0x3FC9]  }
0xa: {  	[smem:s5], [sflag:s4] =	dma.local [hbm:s2], $0x1  }
0xb: {  	_ =	swait.eq [sflag:s4], $0x1  }
0xc: {  	[sflag:s4] =	ssyncset.done $0x0  }
0xd: {  	[sflag:s4] =	ssyncadd.s32 $0xFFFFFFFF  }
0xe: {  	s18 =	sld [smem:$0x13];
	(tm) =	ssettm $0x1  }
0xf: {  	s19 =	sld [smem:$0x3FFB];
	_ =	sdelay $0x3  }
0x10: {  	_ =	strace s19  }
0x11: {  	s4 =	sld [smem:$0x3FFC];
	_ =	sdelay $0x3  }
0x12: {  	_ =	strace s4  }
0x13: {  	s4 =	sld [smem:$0x3FFD];
	_ =	sdelay $0x3  }
0x14: {  	_ =	strace s4  }
0x15: {  	_ =	strace $0x8FFFFFFF  }
0x16: {  	s20 =	sld [smem:$0x3FDB];
	_ =	sdelay $0x1  }
0x17: {  	s21 =	simm.s32 $_scs_section_size  }
0x18: {  	s6 =	simm.s32 $_size__tile_overlayer_lowered;
	s7 =	simm.s32 $_tile_overlayer_lowered  }
0x19: {  	s24 =	simm.s32 $0x1BFF;
	s23 =	sshll.u32 s7, $0x1;
	s4 =	sadd.s32 s21, s20  }
0x1a: {  	s8 =	simm.s32 $0x0;
	s22 =	sshll.u32 s6, $0x1;
	s6 =	sadd.s32 s23, s4  }
0x1b: {  	[timem:s8], [sflag:s24] =	dma.local [hbm:s6], s22  }
0x1c: {  	_ =	swait.ge [sflag:s24], s22  }
0x1d: {  	s5 =	ssub.s32 $0x0, s22;
	[sflag:s24] =	ssyncset.done $0x0  }
0x1e: {  	[sflag:s24] =	ssyncadd.s32 s5;
	_ =	sdelay $0x1  }
0x1f: {  	s25 =	simm.s32 $0x1B8B  }
0x20: {  	_ =	swait.ge [sflag:s25], $0x1  }
0x21: {  	[sflag:s25] =	ssyncset.done $0x0  }
0x22: {  	s26 =	simm.s32 $0x1B8E;
	[sflag:s25] =	ssyncadd.s32 $0xFFFFFFFF  }
0x23: {  	s27 =	simm.s32 $execute0_lowered;
	[smem:$0x3FD2] =	sst s26  }
0x24: {  	s5 =	sshll.u32 s27, $0x1;
	_ =	strace $0x80000046;
	[dreg:$0x1] =	wrdreg $0xFFFFFFFF  }
0x25: {  	s28 =	simm.s32 $_size_execute0_lowered;
	s4 =	sadd.s32 s4, s5;
	[dreg:$0x0] =	wrdreg $0x0  }
0x26: {  	s5 =	sshll.u32 s28, $0x1;
	[dreg:$0x2] =	wrdreg s4  }
0x27: {  	[dreg:$0x3] =	wrdreg s5  }
0x28: {  	[dreg:$0x4] =	wrdreg $0xC0  }
0x29: {  	_ =	task [dreg:s8], $0x5FFFF  }
0x2a: {  	[dreg:$0x1] =	wrdreg $0xFFFFFFFF  }
0x2b: {  	[dreg:$0x0] =	wrdreg $0x60  }
0x2c: {  	[dreg:$0x2] =	wrdreg s17  }
0x2d: {  	[dreg:$0x3] =	wrdreg s18  }
0x2e: {  	[dreg:$0x4] =	wrdreg $0x9  }
0x2f: {  	_ =	task.clear_ibuf [dreg:s8], $0x5FFFF;
	_ =	strace $0x90000046  }
0x30: {  	s29 =	simm.s32 $0x9;
	_ =	strace $0x80000048  }
0x31: {  	_ =	swait.ge [sflag:s29], $0x1  }
0x32: {  	[sflag:s29] =	ssyncadd.s32 $0xFFFFFFFF  }
0x33: {  	_ =	strace $0x90000048  }
0x34: {  	_ =	sfence  }
0x35: {  	s30 =	sld [smem:$0x0];
	_ =	sdelay $0x2  }
0x36: {  	s31 =	sshll.u32 s1, $0xD;
	s1 =	sshrl.u32 s1, $0x2  }
0x37: {  	s3 =	sand.u32 $0x4000, s31;
	s1 =	sadd.s32 s1, s30  }
0x38: {  	s0 =	sor.u32 s3, s0;
	s1 =	sshll.u32 s1, $0x11  }
0x39: {  	s0 =	sor.u32 s1, s0  }
0x3a: {  	s0 =	sadd.s32 $0x8F2B, s0  }
0x3b: {  	[sflag:s0] =	ssyncadd.remote.s32 $0x1  }
0x3c: {  	_ =	sfence.sel $0xFFFF  }
0x3d: {  	[dreg:$0x0] =	wrdreg $0xFFFFFFFF;
	(pc) =	sbr.abs _section_cstart, $3  }
0x3e: {  	[dreg:$0x1] =	wrdreg $0xFFFFFFFF  }
0x3f: {  	_ =	task.clear_ibuf [dreg:s8], $0x2FFFF;
	_ =	strace $0x9FFFFFFF  }
0x40: {  	(tm) =	ssettm $0x7FFFFFFF  }
0x41: {  	_ =	shalt  }
tec
execute0_lowered:
.L_overlay_start_1:
0x0: {  	(tag) =	ssettag $0x1  }
0x1: {  	s2 =	rddreg [dreg:$0x0]  }
0x2: {  	s3 =	rddreg [dreg:$0x1]  }
0x3: {  	s0 =	rddreg [dreg:$0x2];
	s1 =	srdreg.scid;
	_ =	strace $0x80000047  }
0x4: {  	s6 =	simm.s32 $0x2;
	s13 =	simm.s32 $0x0;
	p0 =	por $0x0, $0x0  }
.Ltmp0:
0x5: {  	s12 =	simm.s32 $0x0;
	s11 =	simm.s32 $0x0;
	(pc) =	sbr.rel .LBB1_1-.Ltmp0, $4  }
0x6: {  	s8 =	simm.s32 $0x0;
	s9 =	simm.s32 $0x0;
	s4 =	sshll.u32 s1, $0x4  }
0x7: {  	s1 =	stileid.u32;
	s5 =	sand.u32 $0x10, s4;
	s4 =	simm.s32 $0x1  }
0x8: {  	s7 =	simm.s32 $0x0;
	s5 =	sor.u32 s1, s5;
	[sflag:s4] =	ssyncpa.u1 $0x0  }
0x9: {  	[sflag:s6] =	ssyncpa.u1 $0x0;
	s6 =	simm.s32 $0x1400;
	s10 =	smov.u32 s5  }
.LBB1_5:
0xa: {  	s14 =	sadd.s32 $0x80, s8  }
0xb: {  	s11 =	sadd.s32 $0x80, s9;
	s15 =	smov.u32 s9;
	p2 =	sgt.s32 s14, $0xFF  }
0xc: {  	s15 =	smov.u32 @p2 s11  }
0xd: {  	s17 =	smov.u32 s10;
	s11 =	sadd.s32 $0x20, s10;
	p3 =	sgt.s32 s15, $0x23F  }
0xe: {  	p1 =	slt.u32 s7, $0x2;
	s17 =	smov.u32 @p3 s11  }
0xf: {  	s7 =	sadd.s32 $0x1, s7;
	s14 =	simm.s32 @p2 $0x0;
	p2 =	sgt.s32 s17, $0x3F  }
0x10: {  	s17 =	smov.u32 @p2 s5;
	p2 =	sne.s32 s7, $0x16  }
.Ltmp1:
0x11: {  	s16 =	simm.s32 @!p1 $0x2;
	(pc) =	sbr.rel @!p2 .LBB1_6-.Ltmp1, $4  }
0x12: {  	s13 =	smov.u32 s8;
	_ =	swait.ge @!p1 [sflag:s16], $0x4000  }
0x13: {  	s12 =	smov.u32 s9;
	p0 =	por !p0, !p0;
	[sflag:s16] =	ssyncset.done @!p1 $0x0  }
0x14: {  	s8 =	smov.u32 s14;
	s15 =	simm.s32 @p3 $0x0;
	s11 =	smov.u32 s10  }
0x15: {  	[sflag:s16] =	ssyncadd.s32 @!p1 $0xFFFFC000;
	s9 =	smov.u32 s15;
	s10 =	smov.u32 s17  }
.LBB1_1:
0x16: {  	p1 =	sgt.u32 s7, $0x13;
	s18 =	smov.u32 s9  }
0x17: {  	s14 =	sshll.u32 @!p1 s9, $0x8;
	s15 =	sshll.u32 @!p1 s8, $0x3;
	s16 =	sshll.u32 @!p1 s9, $0x7  }
0x18: {  	p2 =	sgt.s32 @!p1 s10, $0x3F;
	s14 =	sand.u32 @!p1 $0xFFFFF800, s14;
	s15 =	sand.u32 @!p1 $0xFFFFFC00, s15  }
0x19: {  	s17 =	sshra.s32 @!p1 s10, $0x1F;
	s14 =	sadd.s32 @!p1 s14, s15;
	s15 =	sand.u32 @!p1 $0x300, s16  }
0x1a: {  	p2 =	por !p2, p1;
	s14 =	sor.u32 @!p1 s15, s14;
	s15 =	smov.u32 s10  }
0x1b: {  	s17 =	sand.u32 @!p1 s17, s10;
	s15 =	simm.s32 @p2 $0x3F;
	p2 =	sgt.s32 @!p1 s9, $0x1C0  }
0x1c: {  	s19 =	sshra.s32 @!p1 s9, $0x1F;
	p2 =	por !p2, p1;
	s15 =	ssub.s32 @!p1 s15, s17  }
0x1d: {  	s17 =	sand.u32 @!p1 s19, s9;
	s18 =	simm.s32 @p2 $0x1C0;
	s19 =	sadd.s32 @!p1 $0xFFFFFFC1, s15  }
0x1e: {  	p2 =	sgt.s32 @!p1 s8, $0x80;
	s17 =	ssub.s32 @!p1 s18, s17;
	p3 =	sgt.s32 @!p1 s19, $0x0  }
0x1f: {  	p2 =	por !p2, p1;
	s19 =	smov.u32 s8;
	s18 =	sadd.s32 @!p1 $0xFFFFFE40, s17  }
0x20: {  	s19 =	simm.s32 @p2 $0x80;
	p2 =	sgt.s32 @!p1 s18, $0x7F;
	s18 =	sshra.s32 @!p1 s8, $0x1F  }
0x21: {  	s15 =	ssub.s32 @!p1 $0x40, s15;
	p3 =	por !p3, p1;
	s18 =	sand.u32 @!p1 s18, s8  }
0x22: {  	s17 =	ssub.s32 @!p1 $0x240, s17;
	p2 =	por !p2, p1;
	s18 =	ssub.s32 @!p1 s19, s18  }
0x23: {  	s15 =	simm.s32 @!p3 $0x0;
	s17 =	simm.s32 @!p2 $0x0;
	s19 =	sadd.s32 @!p1 $0xFFFFFF80, s18  }
0x24: {  	s14 =	sshrl.u32 @!p1 s14, $0x8;
	s15 =	smul.u32 @!p1 s15, s17;
	p2 =	sgt.s32 @!p1 s19, $0x7F  }
0x25: {  	s17 =	ssub.s32 @!p1 $0x100, s18;
	s19 =	smulhi.u32 @!p1 $0xE38E39, s14;
	p2 =	por !p2, p1  }
0x26: {  	s17 =	simm.s32 @!p2 $0x0  }
0x27: {  	s16 =	sand.u32 @!p1 $0x80, s16;
	s19 =	sshrl.u32 @!p1 s19, $0x1;
	s15 =	smul.u32 @!p1 s17, s15  }
0x28: {  	s18 =	sxor.u32 @!p1 $0xFFFFFFFF, s7;
	s17 =	sand.u32 @!p1 $0x78, s8;
	s19 =	smul.u32 @!p1 $0x240, s19  }
0x29: {  	s18 =	sshll.u32 @!p1 s18, $0xE;
	s16 =	sor.u32 @!p1 s17, s16;
	s17 =	smul.u32 @!p1 $0x4800, s10  }
0x2a: {  	s18 =	sand.u32 @!p1 $0x4000, s18;
	s14 =	ssub.s32 @!p1 s14, s19;
	s15 =	sand.u32 @!p1 $0x3FFFFFFF, s15  }
0x2b: {  	s16 =	sshrl.u32 @!p1 s16, $0x3;
	s19 =	sand.u32 @!p1 $0x7, s8;
	s17 =	sadd.s32 @!p1 s2, s17  }
0x2c: {  	s14 =	sshll.u32 @!p1 s14, $0x5;
	s16 =	sadd.s32 @!p1 s16, s17;
	s17 =	sshll.u32 @!p1 s19, $0x12  }
0x2d: {  	s14 =	sadd.s32 @!p1 s14, s16;
	s16 =	sor.u32 @!p1 $0x400, s17;
	s17 =	simm.s32 @!p1 $0x800  }
0x2e: {  	[tilespmem:s18], [sflag:$0x1] =	stream.strided.gather @!p1 [hbm4b:s14+s16], s15, s17, s16, $0x38;
	[tilespmem:$0x10100] =	vst v63  }
0x2f: {  	p1 =	seq.s32 s7, $0x0  }
0x30: {  	p2 =	seq.s32 @!p1 s7, $0x15  }
0x31: {  	p1 =	por p1, p2  }
.Ltmp2:
0x32: {  	_ = 	snop;
	(pc) =	sbr.rel @p1 .LBB1_5-.Ltmp2, $1  }
0x33: {  	_ =	sdelay $0x3  }
0x34: {  	p1 =	sgt.s32 s11, $0x3F;
	s14 =	smov.u32 s11;
	s15 =	sshra.s32 s11, $0x1F  }
0x35: {  	s14 =	simm.s32 @!p1 $0x3F;
	s15 =	sand.u32 s15, s11  }
0x36: {  	s14 =	ssub.s32 s14, s15  }
0x37: {  	p2 =	sgt.s32 s12, $0x1C0;
	s16 =	sshra.s32 s12, $0x1F;
	s15 =	sadd.s32 $0xFFFFFFC1, s14  }
0x38: {  	s17 =	sshra.s32 s13, $0x1F;
	p1 =	sgt.s32 s15, $0x0;
	s15 =	smov.u32 s12  }
0x39: {  	s16 =	sand.u32 s16, s12;
	s17 =	sand.u32 s17, s13;
	s15 =	simm.s32 @!p2 $0x1C0  }
0x3a: {  	p2 =	sgt.s32 s13, $0x80;
	s15 =	ssub.s32 s15, s16;
	s16 =	smov.u32 s13  }
0x3b: {  	s14 =	ssub.s32 $0x40, s14;
	s18 =	sadd.s32 $0xFFFFFE40, s15;
	s16 =	simm.s32 @!p2 $0x80  }
0x3c: {  	s15 =	ssub.s32 $0x240, s15;
	p2 =	sgt.s32 s18, $0x7F;
	s16 =	ssub.s32 s16, s17  }
0x3d: {  	s14 =	simm.s32 @p1 $0x0;
	s15 =	simm.s32 @p2 $0x0;
	s17 =	sadd.s32 $0xFFFFFF80, s16  }
0x3e: {  	s14 =	smul.u32 s14, s15;
	p1 =	sgt.s32 s17, $0x7F;
	s15 =	ssub.s32 $0x100, s16  }
0x3f: {  	s15 =	simm.s32 @p1 $0x0  }
0x40: {  	s14 =	smul.u32 s15, s14;
	_ =	sdelay $0x1  }
0x41: {  	s15 =	simm.s32 $0x1;
	s14 =	sand.u32 $0x3FFFFFFF, s14  }
0x42: {  	s15 =	simm.s32 @!p0 $0x0;
	_ =	swait.ge [sflag:s4], s14  }
0x43: {  	s28 =	sshll.u32 s15, $0xE;
	s14 =	ssub.s32 $0x0, s14;
	[sflag:s4] =	ssyncset.done $0x0  }
0x44: {  	s29 =	sor.u32 $0x40, s28;
	[sflag:s4] =	ssyncadd.s32 s14  }
0x45: {  	s30 =	smul.u32 $0x10200, s15;
	v0 =	vld [tilespmem:s29+$0x30]  }
0x46: {  	v1 =	vld [tilespmem:s29+$0xFFFFFFD0]  }
0x47: {  	s14 =	sshrl.u32 s30, $0x2;
	v5 =	vld [tilespmem:s29+$0xFFFFFFE0]  }
0x48: {  	s15 =	sor.u32 $0x8000, s14;
	v6 =	vld [tilespmem:s29+$0xFFFFFFF0]  }
0x49: {  	s31 =	sand.u32 $0x1, s7;
	v4 =	vld [tilespmem:s29+$0x0];
	s16 =	sadd.s32 $0x0, s15  }
0x4a: {  	s14 =	smul.u32 $0x10200, s31;
	v3 =	vld [tilespmem:s29+$0x10];
	[tilespmem:s16+$0x3870 ss:$0x81] =	vst.msk $0xffff, v0  }
0x4b: {  	v2 =	vld [tilespmem:s29+$0x20];
	[tilespmem:s16+$0x810 ss:$0x81] =	vst.msk $0xffff, v1  }
0x4c: {  	s17 =	sadd.s32 $0x80, s29;
	s14 =	sshrl.u32 s14, $0x2;
	v0 =	vld [tilespmem:s29+$0xFFFFFFC0];
	[tilespmem:s16+$0x1020 ss:$0x81] =	vst.msk $0xffff, v5  }
0x4d: {  	s19 =	simm.s32 $0x8;
	s18 =	simm.s32 $0x4;
	s14 =	sor.u32 $0x8000, s14;
	v1 =	vld [tilespmem:s17+$0x30];
	[tilespmem:s16+$0x1830 ss:$0x81] =	vst.msk $0xffff, v6  }
.LBB1_3:
0x4e: {  	p1 =	sne.s32 s19, $0x1FC;
	v5 =	vld [tilespmem:s17+$0xFFFFFFD0];
	[tilespmem:s16+$0x2040 ss:$0x81] =	vst.msk $0xffff, v4  }
0x4f: {  	v6 =	vld [tilespmem:s17+$0xFFFFFFE0];
	[tilespmem:s16+$0x2850 ss:$0x81] =	vst.msk $0xffff, v3  }
0x50: {  	s20 =	sshra.s32 s18, $0x2;
	s18 =	smov.u32 s19;
	v7 =	vld [tilespmem:s17+$0xFFFFFFF0];
	[tilespmem:s16+$0x3060 ss:$0x81] =	vst.msk $0xffff, v2  }
.Ltmp3:
0x51: {  	v4 =	vld [tilespmem:s17+$0x0];
	[tilespmem:s16+$0x0 ss:$0x81] =	vst.msk $0xffff, v0;
	s16 =	sadd.s32 s20, s15;
	(pc) =	sbr.rel @p1 .LBB1_3-.Ltmp3, $4  }
0x52: {  	v3 =	vld [tilespmem:s17+$0x10];
	[tilespmem:s16+$0x3870 ss:$0x81] =	vst.msk $0xffff, v1  }
0x53: {  	[tilespmem:s16+$0x810 ss:$0x81] =	vst.msk $0xffff, v5;
	v2 =	vld [tilespmem:s17+$0x20]  }
0x54: {  	v0 =	vld [tilespmem:s17+$0xFFFFFFC0];
	[tilespmem:s16+$0x1020 ss:$0x81] =	vst.msk $0xffff, v6;
	s17 =	sadd.s32 $0x80, s17  }
0x55: {  	s19 =	sadd.s32 $0x4, s19;
	v1 =	vld [tilespmem:s17+$0x30];
	[tilespmem:s16+$0x1830 ss:$0x81] =	vst.msk $0xffff, v7  }
0x56: {  	s19 =	sshrl.u32 s13, $0x3  }
0x57: {  	s20 =	sshll.u32 s12, $0x3;
	s19 =	smul.u32 $0x1400, s19  }
0x58: {  	s27 =	sshll.u32 s13, $0x7;
	s20 =	sand.u32 $0xFFFFFC00, s20  }
0x59: {  	v5 =	vld [tilespmem:s17+$0xFFFFFFD0];
	[tilespmem:s16+$0x2040 ss:$0x81] =	vst.msk $0xffff, v4;
	s13 =	sand.u32 $0x380, s27;
	s19 =	sadd.s32 s20, s19  }
0x5a: {  	v58 =	vld [tilespmem:s17+$0xFFFFFFE0];
	s28 =	sand.u32 $0x7F, s12;
	[tilespmem:s16+$0x2850 ss:$0x81] =	vst.msk $0xffff, v3;
	s13 =	sor.u32 s13, s19  }
0x5b: {  	s18 =	sshra.s32 s18, $0x2;
	v59 =	vld [tilespmem:s17+$0xFFFFFFF0];
	[tilespmem:s16+$0x3060 ss:$0x81] =	vst.msk $0xffff, v2;
	s12 =	sor.u32 s28, s13;
	s13 =	smulhi.u32 $0xCCCCCCCD, s13  }
0x5c: {  	v60 =	vld [tilespmem:s17+$0x0];
	s15 =	sadd.s32 s18, s15;
	[tilespmem:s16+$0x0 ss:$0x81] =	vst.msk $0xffff, v0;
	s29 =	smulhi.u32 $0xCCCCCCCD, s12  }
0x5d: {  	v61 =	vld [tilespmem:s17+$0x10];
	[tilespmem:s15+$0x3870 ss:$0x81] =	vst.msk $0xffff, v1  }
0x5e: {  	v62 =	vld [tilespmem:s17+$0x20];
	s11 =	smul.u32 $0x5000, s11;
	[tilespmem:s15+$0x810 ss:$0x81] =	vst.msk $0xffff, v5;
	s13 =	sshrl.u32 s13, $0x9;
	s16 =	sshrl.u32 s29, $0x9  }
0x5f: {  	v63 =	vld [tilespmem:s17+$0xFFFFFFC0];
	[tilespmem:s15+$0x1020 ss:$0x81] =	vst.msk $0xffff, v58;
	s13 =	sand.u32 $0xFF, s13;
	s16 =	smul.u32 $0x280, s16  }
0x60: {  	[tilespmem:s15+$0x1830 ss:$0x81] =	vst.msk $0xffff, v59;
	s13 =	smul.u32 $0x50, s13  }
.Ltmp4:
0x61: {  	[tilespmem:s15+$0x2040 ss:$0x81] =	vst.msk $0xffff, v60;
	s12 =	ssub.s32 s12, s16;
	(pc) =	sbr.rel .LBB1_5-.Ltmp4, $4  }
0x62: {  	s11 =	sadd.s32 s3, s11;
	[tilespmem:s15+$0x2850 ss:$0x81] =	vst.msk $0xffff, v61;
	s16 =	sand.u32 $0x7, s12  }
0x63: {  	[tilespmem:s15+$0x3060 ss:$0x81] =	vst.msk $0xffff, v62;
	s11 =	sadd.s32 s13, s11;
	s12 =	sshrl.u32 s12, $0x3;
	s30 =	sshll.u32 s16, $0x12  }
0x64: {  	[tilespmem:s15+$0x0 ss:$0x81] =	vst.msk $0xffff, v63;
	s11 =	sadd.s32 s12, s11;
	s31 =	sor.u32 $0x400, s30  }
0x65: {  	[hbm4b:s11+s31] =	stream.strided.scatter [tilespmem:s14], [sflag:$0x2], $0x4000, s6, s31, $0x20;
	[tilespmem:$0x10100] =	vst v63  }
.LBB1_6:
0x66: {  	_ =	sfence.sel $0x180000  }
0x67: {  	s2 =	simm.s32 $0x1;
	[bflag:$0x0] =	sbarrier.arrive $0xFFFF  }
0x68: {  	s31 =	simm.s32 $0x2;
	[sflag:s2] =	ssyncpa.u1 $0x1  }
0x69: {  	[sflag:s31] =	ssyncpa.u1 $0x1  }
0x6a: {  	p0 =	sne.s32 s1, $0x0;
	_ =	strace $0x90000047  }
0x6b: {  	s0 =	sadd.s32 @!p0 $0x100000, s0;
	[bflag:$0x2] =	sbarrier.arrive $0xFFFF  }
0x6c: {  	[sflag:s0] =	ssyncadd.tile.s32 @!p0 $0x1;
	_ =	shalt  }
.Lfunc_end1:
_tile_overlayer_lowered:
.L_overlay_start_2:
0x6d: {  	(tag) =	ssettag $0x2  }
0x6e: {  	s0 =	rddreg [dreg:$0x0];
	s2 =	stileid.u32  }
0x6f: {  	s1 =	rddreg [dreg:$0x1];
	p0 =	sne.s32 s2, $0x0  }
0x70: {  	s3 =	rddreg [dreg:$0x2];
	[bflag:$0x3] =	sbarrier.arrive $0xFFFF;
	s2 =	simm.s32 @!p0 $0x1C01  }
0x71: {  	[timem:s3], [sflag:s2] =	dma.local @!p0 [hbm:s0], s1  }
0x72: {  	s0 =	simm.s32 @!p0 $0x1  }
0x73: {  	_ =	swait.ge @!p0 [sflag:s0], s1  }
0x74: {  	s1 =	ssub.s32 @!p0 $0x0, s1;
	[sflag:s0] =	ssyncset.done @!p0 $0x0  }
0x75: {  	[sflag:s0] =	ssyncadd.s32 @!p0 s1  }
0x76: {  	[bflag:$0x3] =	sbarrier.arrive $0xFFFF  }
0x77: {  	_ =	shalt  }

// kernel: sparse-core-data-format-call.cloned.1.call-start
scs
called_computation_lowered:
.L_overlay_start_0:
0x0: {  	s2 =	sld [smem:$0x3FD9]  }
0x1: {  	s3 =	sld [smem:$0x3FFE];
	_ =	sdelay $0x1  }
0x2: {  	s1 =	srdreg.scid  }
0x3: {  	s0 =	sand.u32 $0x1, s1  }
0x4: {  	s15 =	sshll.u32 s0, $0xA;
	s2 =	sadd.s32 s3, s2  }
0x5: {  	s2 =	sadd.s32 s2, s15  }
0x6: {  	[smem:$0x3FC5] =	sst s2  }
0x7: {  	_ = 	snop  }
0x8: {  	s2 =	sld [smem:$0x3FD0];
	_ =	sdelay $0x2  }
0x9: {  	s16 =	simm.s32 $0xA;
	s4 =	simm.s32 $0x10  }
0xa: {  	[smem:s4], [sflag:s16] =	dma.local [hbm:s2], $0x1  }
0xb: {  	_ =	swait.eq [sflag:s16], $0x1  }
0xc: {  	[sflag:s16] =	ssyncset.done $0x0  }
0xd: {  	[sflag:s16] =	ssyncadd.s32 $0xFFFFFFFF  }
0xe: {  	s17 =	sld [smem:$0x10];
	(tm) =	ssettm $0x1  }
0xf: {  	s18 =	sld [smem:$0x3FFB];
	_ =	sdelay $0x3  }
0x10: {  	_ =	strace s18  }
0x11: {  	s3 =	sld [smem:$0x3FFC];
	_ =	sdelay $0x3  }
0x12: {  	_ =	strace s3  }
0x13: {  	s3 =	sld [smem:$0x3FFD];
	_ =	sdelay $0x3  }
0x14: {  	_ =	strace s3  }
0x15: {  	_ =	strace $0x8FFFFFFF  }
0x16: {  	s19 =	sld [smem:$0x3FDB];
	_ =	sdelay $0x1  }
0x17: {  	s20 =	simm.s32 $_scs_section_size  }
0x18: {  	s5 =	simm.s32 $_size__tile_overlayer_lowered;
	s6 =	simm.s32 $_tile_overlayer_lowered  }
0x19: {  	s23 =	simm.s32 $0x1BFF;
	s22 =	sshll.u32 s6, $0x1;
	s3 =	sadd.s32 s20, s19  }
0x1a: {  	s7 =	simm.s32 $0x0;
	s21 =	sshll.u32 s5, $0x1;
	s5 =	sadd.s32 s22, s3  }
0x1b: {  	[timem:s7], [sflag:s23] =	dma.local [hbm:s5], s21  }
0x1c: {  	_ =	swait.ge [sflag:s23], s21  }
0x1d: {  	s4 =	ssub.s32 $0x0, s21;
	[sflag:s23] =	ssyncset.done $0x0  }
0x1e: {  	[sflag:s23] =	ssyncadd.s32 s4;
	_ =	sdelay $0x1  }
0x1f: {  	s24 =	simm.s32 $0x1B8B  }
0x20: {  	_ =	swait.ge [sflag:s24], $0x1  }
0x21: {  	[sflag:s24] =	ssyncset.done $0x0  }
0x22: {  	s26 =	simm.s32 $0x1B8E;
	s25 =	sld [smem:$0x3FFE];
	[sflag:s24] =	ssyncadd.s32 $0xFFFFFFFF  }
0x23: {  	s27 =	simm.s32 $execute0_lowered;
	[smem:$0x3FD2] =	sst s26  }
0x24: {  	s5 =	sshll.u32 s27, $0x1;
	_ =	strace $0x80000049;
	[dreg:$0x1] =	wrdreg $0xFFFFFFFF  }
0x25: {  	s28 =	simm.s32 $_size_execute0_lowered;
	s3 =	sadd.s32 s3, s5;
	[dreg:$0x0] =	wrdreg $0x0  }
0x26: {  	s5 =	sshll.u32 s28, $0x1;
	[dreg:$0x2] =	wrdreg s3  }
0x27: {  	[dreg:$0x3] =	wrdreg s5  }
0x28: {  	[dreg:$0x4] =	wrdreg $0xC0  }
0x29: {  	_ =	task [dreg:s7], $0x5FFFF  }
0x2a: {  	[dreg:$0x1] =	wrdreg $0xFFFFFFFF  }
0x2b: {  	[dreg:$0x0] =	wrdreg $0x60  }
0x2c: {  	[dreg:$0x2] =	wrdreg s25  }
0x2d: {  	[dreg:$0x3] =	wrdreg s17  }
0x2e: {  	[dreg:$0x4] =	wrdreg $0x9  }
0x2f: {  	_ =	task.clear_ibuf [dreg:s7], $0x5FFFF;
	_ =	strace $0x90000049  }
0x30: {  	s29 =	simm.s32 $0x9;
	_ =	strace $0x8000004B  }
0x31: {  	_ =	swait.ge [sflag:s29], $0x1  }
0x32: {  	[sflag:s29] =	ssyncadd.s32 $0xFFFFFFFF  }
0x33: {  	_ =	strace $0x9000004B  }
0x34: {  	_ =	sfence  }
0x35: {  	s30 =	sld [smem:$0x0];
	_ =	sdelay $0x2  }
0x36: {  	s31 =	sshll.u32 s1, $0xD;
	s1 =	sshrl.u32 s1, $0x2  }
0x37: {  	s3 =	sand.u32 $0x4000, s31;
	s1 =	sadd.s32 s1, s30  }
0x38: {  	s0 =	sor.u32 s3, s0;
	s1 =	sshll.u32 s1, $0x11  }
0x39: {  	s0 =	sor.u32 s1, s0  }
0x3a: {  	s0 =	sadd.s32 $0x8F2B, s0  }
0x3b: {  	[sflag:s0] =	ssyncadd.remote.s32 $0x1  }
0x3c: {  	_ =	sfence.sel $0xFFFF  }
0x3d: {  	[dreg:$0x0] =	wrdreg $0xFFFFFFFF;
	(pc) =	sbr.abs _section_cstart, $3  }
0x3e: {  	[dreg:$0x1] =	wrdreg $0xFFFFFFFF  }
0x3f: {  	_ =	task.clear_ibuf [dreg:s7], $0x2FFFF;
	_ =	strace $0x9FFFFFFF  }
0x40: {  	(tm) =	ssettm $0x7FFFFFFF  }
0x41: {  	_ =	shalt  }
tec
execute0_lowered:
.L_overlay_start_1:
0x0: {  	(tag) =	ssettag $0x1  }
0x1: {  	s1 =	rddreg [dreg:$0x0]  }
0x2: {  	s2 =	rddreg [dreg:$0x1]  }
0x3: {  	s0 =	rddreg [dreg:$0x2]  }
0x4: {  	s4 =	srdreg.scid;
	_ =	strace $0x8000004A;
	s6 =	simm.s32 $0x2  }
0x5: {  	s14 =	simm.s32 $0x0;
	p0 =	por $0x0, $0x0;
	s15 =	simm.s32 $0x0  }
0x6: {  	s16 =	simm.s32 $0x0;
	s7 =	simm.s32 $0x0;
	s9 =	simm.s32 $0x0  }
.Ltmp0:
0x7: {  	s10 =	simm.s32 $0x0;
	s11 =	simm.s32 $0x0;
	(pc) =	sbr.rel .LBB1_1-.Ltmp0, $4  }
0x8: {  	s12 =	simm.s32 $0x0;
	s3 =	sadd.s32 $0x120C00, s1;
	s4 =	sshll.u32 s4, $0x4  }
0x9: {  	s1 =	stileid.u32;
	s5 =	sand.u32 $0x10, s4;
	s4 =	simm.s32 $0x1  }
0xa: {  	s8 =	simm.s32 $0x0;
	s5 =	sor.u32 s1, s5;
	[sflag:s4] =	ssyncpa.u1 $0x0  }
0xb: {  	[sflag:s6] =	ssyncpa.u1 $0x0;
	s6 =	simm.s32 $0x800;
	s13 =	smov.u32 s5  }
.LBB1_5:
0xc: {  	p1 =	slt.u32 s8, $0x2  }
0xd: {  	p2 =	sgt.s32 @!p1 s16, $0x3F  }
0xe: {  	s17 =	smov.u32 s16;
	s18 =	sshra.s32 @!p1 s16, $0x1F;
	p2 =	por !p2, p1  }
0xf: {  	s16 =	sand.u32 @!p1 s18, s16;
	s17 =	simm.s32 @p2 $0x3F  }
0x10: {  	p3 =	sgt.s32 @!p1 s15, $0x80;
	s16 =	ssub.s32 @!p1 s17, s16  }
0x11: {  	p3 =	por !p3, p1;
	s18 =	sshra.s32 @!p1 s15, $0x1F;
	s17 =	sadd.s32 @!p1 $0xFFFFFFC1, s16  }
0x12: {  	s16 =	ssub.s32 @!p1 $0x40, s16;
	p2 =	sgt.s32 @!p1 s17, $0x0;
	s17 =	smov.u32 s15  }
0x13: {  	s15 =	sand.u32 @!p1 s18, s15;
	s17 =	simm.s32 @p3 $0x80;
	p3 =	sgt.s32 @!p1 s14, $0x1C0  }
0x14: {  	s18 =	smov.u32 s14;
	p2 =	por !p2, p1;
	p3 =	por !p3, p1  }
0x15: {  	s15 =	ssub.s32 @!p1 s17, s15;
	s17 =	sshra.s32 @!p1 s14, $0x1F;
	s16 =	simm.s32 @!p2 $0x0  }
0x16: {  	s18 =	simm.s32 @p3 $0x1C0;
	s14 =	sand.u32 @!p1 s17, s14;
	s17 =	sadd.s32 @!p1 $0xFFFFFF80, s15  }
0x17: {  	s15 =	ssub.s32 @!p1 $0x100, s15;
	s14 =	ssub.s32 @!p1 s18, s14;
	p2 =	sgt.s32 @!p1 s17, $0x7F  }
0x18: {  	s18 =	smov.u32 s12;
	s17 =	sadd.s32 @!p1 $0xFFFFFE40, s14;
	p2 =	por !p2, p1  }
0x19: {  	s14 =	ssub.s32 @!p1 $0x240, s14;
	p3 =	sgt.s32 @!p1 s17, $0x7F;
	s15 =	simm.s32 @!p2 $0x0  }
0x1a: {  	s17 =	sadd.s32 $0x80, s11;
	p2 =	por !p3, p1;
	s15 =	smul.u32 @!p1 s16, s15  }
0x1b: {  	s16 =	sadd.s32 $0x80, s12;
	s14 =	simm.s32 @!p2 $0x0;
	p2 =	sgt.s32 s17, $0x23F  }
0x1c: {  	s19 =	smov.u32 s13;
	s18 =	smov.u32 @p2 s16  }
0x1d: {  	s14 =	smul.u32 @!p1 s14, s15;
	s15 =	sadd.s32 $0x20, s13;
	p3 =	sgt.s32 s18, $0xFF  }
0x1e: {  	s8 =	sadd.s32 $0x1, s8;
	p0 =	por !p0, !p0;
	s19 =	smov.u32 @p3 s15  }
0x1f: {  	s20 =	simm.s32 @!p1 $0x2;
	s17 =	simm.s32 @p2 $0x0;
	p2 =	sgt.s32 s19, $0x3F  }
0x20: {  	s16 =	smov.u32 s10;
	s19 =	smov.u32 @p2 s5;
	p2 =	sne.s32 s8, $0x16  }
.Ltmp1:
0x21: {  	s10 =	smov.u32 s13;
	s14 =	sand.u32 @!p1 $0x3FFFFFFF, s14;
	(pc) =	sbr.rel @!p2 .LBB1_6-.Ltmp1, $4  }
0x22: {  	s18 =	simm.s32 @p3 $0x0;
	s15 =	smov.u32 s9;
	s9 =	smov.u32 s12  }
0x23: {  	_ =	swait.ge @!p1 [sflag:s20], s14;
	s21 =	ssub.s32 @!p1 $0x0, s14;
	s14 =	smov.u32 s7  }
0x24: {  	s7 =	smov.u32 s11;
	s11 =	smov.u32 s17;
	[sflag:s20] =	ssyncset.done @!p1 $0x0  }
0x25: {  	s12 =	smov.u32 s18;
	[sflag:s20] =	ssyncadd.s32 @!p1 s21;
	s13 =	smov.u32 s19  }
.LBB1_1:
0x26: {  	p1 =	sgt.u32 s8, $0x13  }
0x27: {  	s17 =	sshrl.u32 @!p1 s12, $0x3  }
0x28: {  	s18 =	sshll.u32 @!p1 s11, $0x3;
	s17 =	smul.u32 @!p1 $0x1400, s17  }
0x29: {  	s19 =	sshll.u32 @!p1 s12, $0x7;
	s18 =	sand.u32 @!p1 $0xFFFFFC00, s18  }
0x2a: {  	s17 =	sadd.s32 @!p1 s17, s18;
	s18 =	sand.u32 @!p1 $0x380, s19  }
0x2b: {  	s19 =	sand.u32 @!p1 $0x7F, s11;
	s17 =	sor.u32 @!p1 s18, s17  }
0x2c: {  	s18 =	sor.u32 @!p1 s19, s17  }
0x2d: {  	s19 =	smulhi.u32 @!p1 $0xCCCCCCCD, s18  }
0x2e: {  	s17 =	smulhi.u32 @!p1 $0xCCCCCCCD, s17  }
0x2f: {  	s19 =	sshrl.u32 @!p1 s19, $0x9  }
0x30: {  	s17 =	sshrl.u32 @!p1 s17, $0x9;
	s19 =	smul.u32 @!p1 $0x280, s19  }
0x31: {  	s20 =	sxor.u32 @!p1 $0xFFFFFFFF, s8;
	s21 =	smul.u32 @!p1 $0x5000, s13;
	s17 =	sand.u32 @!p1 $0xFF, s17  }
0x32: {  	s20 =	sshll.u32 @!p1 s20, $0xE;
	s17 =	smul.u32 @!p1 $0x50, s17;
	s18 =	ssub.s32 @!p1 s18, s19  }
0x33: {  	s19 =	sand.u32 @!p1 $0x4000, s20;
	s20 =	sadd.s32 @!p1 s3, s21;
	s21 =	sand.u32 @!p1 $0x7, s18  }
0x34: {  	s18 =	sshrl.u32 @!p1 s18, $0x3;
	s17 =	sadd.s32 @!p1 s17, s20;
	s20 =	sshll.u32 @!p1 s21, $0x12  }
0x35: {  	s17 =	sadd.s32 @!p1 s18, s17;
	s18 =	sor.u32 @!p1 $0x400, s20;
	s20 =	simm.s32 @!p1 $0x1400  }
0x36: {  	[tilespmem:s19], [sflag:$0x1] =	stream.strided.gather @!p1 [hbm4b:s17+s18], $0x4000, s20, s18, $0x38;
	[tilespmem:$0x10100] =	vst v63  }
0x37: {  	p1 =	seq.s32 s8, $0x0  }
0x38: {  	p2 =	seq.s32 @!p1 s8, $0x15  }
0x39: {  	p1 =	por p1, p2  }
.Ltmp2:
0x3a: {  	_ = 	snop;
	(pc) =	sbr.rel @p1 .LBB1_5-.Ltmp2, $1  }
0x3b: {  	_ =	sdelay $0x3  }
0x3c: {  	s17 =	simm.s32 $0x1  }
0x3d: {  	_ =	swait.ge [sflag:s4], $0x4000;
	s17 =	simm.s32 @!p0 $0x0  }
0x3e: {  	[sflag:s4] =	ssyncset.done $0x0;
	s18 =	sshll.u32 s17, $0xE  }
0x3f: {  	[sflag:s4] =	ssyncadd.s32 $0xFFFFC000;
	s18 =	sor.u32 $0x40, s18  }
0x40: {  	s17 =	smul.u32 $0x10200, s17;
	v0 =	vld [tilespmem:s18+$0x30]  }
0x41: {  	v1 =	vld [tilespmem:s18+$0xFFFFFFD0]  }
0x42: {  	s17 =	sshrl.u32 s17, $0x2;
	v5 =	vld [tilespmem:s18+$0xFFFFFFE0]  }
0x43: {  	v6 =	vld [tilespmem:s18+$0xFFFFFFF0];
	s20 =	sor.u32 $0x8000, s17  }
0x44: {  	s31 =	sand.u32 $0x1, s8;
	v4 =	vld [tilespmem:s18+$0x0];
	s19 =	sadd.s32 $0x0, s20  }
0x45: {  	v3 =	vld [tilespmem:s18+$0x10];
	s17 =	smul.u32 $0x10200, s31;
	[tilespmem:s19+$0x3870 ss:$0x81] =	vst.msk $0xffff, v0  }
0x46: {  	v2 =	vld [tilespmem:s18+$0x20];
	[tilespmem:s19+$0x810 ss:$0x81] =	vst.msk $0xffff, v1  }
0x47: {  	s17 =	sshrl.u32 s17, $0x2;
	v1 =	vld [tilespmem:s18+$0xFFFFFFC0];
	[tilespmem:s19+$0x1020 ss:$0x81] =	vst.msk $0xffff, v5;
	s18 =	sadd.s32 $0x80, s18  }
0x48: {  	s21 =	simm.s32 $0x4;
	s22 =	simm.s32 $0x8;
	s17 =	sor.u32 $0x8000, s17;
	[tilespmem:s19+$0x1830 ss:$0x81] =	vst.msk $0xffff, v6;
	v0 =	vld [tilespmem:s18+$0x30]  }
.LBB1_3:
0x49: {  	p1 =	sne.s32 s22, $0x1FC;
	v5 =	vld [tilespmem:s18+$0xFFFFFFD0];
	[tilespmem:s19+$0x2040 ss:$0x81] =	vst.msk $0xffff, v4  }
0x4a: {  	v6 =	vld [tilespmem:s18+$0xFFFFFFE0];
	[tilespmem:s19+$0x2850 ss:$0x81] =	vst.msk $0xffff, v3  }
0x4b: {  	s23 =	sshra.s32 s21, $0x2;
	s21 =	smov.u32 s22;
	v7 =	vld [tilespmem:s18+$0xFFFFFFF0];
	[tilespmem:s19+$0x3060 ss:$0x81] =	vst.msk $0xffff, v2  }
.Ltmp3:
0x4c: {  	v4 =	vld [tilespmem:s18+$0x0];
	[tilespmem:s19+$0x0 ss:$0x81] =	vst.msk $0xffff, v1;
	s19 =	sadd.s32 s23, s20;
	(pc) =	sbr.rel @p1 .LBB1_3-.Ltmp3, $4  }
0x4d: {  	v3 =	vld [tilespmem:s18+$0x10];
	[tilespmem:s19+$0x3870 ss:$0x81] =	vst.msk $0xffff, v0  }
0x4e: {  	[tilespmem:s19+$0x810 ss:$0x81] =	vst.msk $0xffff, v5;
	v2 =	vld [tilespmem:s18+$0x20]  }
0x4f: {  	v1 =	vld [tilespmem:s18+$0xFFFFFFC0];
	[tilespmem:s19+$0x1020 ss:$0x81] =	vst.msk $0xffff, v6;
	s18 =	sadd.s32 $0x80, s18  }
0x50: {  	s22 =	sadd.s32 $0x4, s22;
	v0 =	vld [tilespmem:s18+$0x30];
	[tilespmem:s19+$0x1830 ss:$0x81] =	vst.msk $0xffff, v7  }
0x51: {  	s22 =	sshll.u32 s7, $0x8  }
0x52: {  	s23 =	sshll.u32 s9, $0x3;
	s24 =	sshll.u32 s7, $0x7;
	p1 =	sgt.s32 s10, $0x3F  }
0x53: {  	s25 =	smov.u32 s10;
	s26 =	sshra.s32 s10, $0x1F;
	s21 =	sshra.s32 s21, $0x2  }
0x54: {  	p2 =	sgt.s32 s9, $0x80;
	s27 =	sshra.s32 s9, $0x1F;
	s22 =	sand.u32 $0xFFFFF800, s22  }
0x55: {  	s23 =	sand.u32 $0xFFFFFC00, s23;
	s28 =	sand.u32 $0x300, s24;
	s25 =	simm.s32 @!p1 $0x3F  }
0x56: {  	s26 =	sand.u32 s26, s10;
	s20 =	sadd.s32 s21, s20;
	s31 =	sand.u32 s27, s9  }
0x57: {  	s27 =	smov.u32 s7;
	s24 =	sand.u32 $0x80, s24;
	s22 =	sadd.s32 s23, s22  }
0x58: {  	s30 =	ssub.s32 s25, s26;
	s26 =	smov.u32 s9;
	s22 =	sor.u32 s28, s22  }
0x59: {  	s25 =	sadd.s32 $0xFFFFFFC1, s30;
	s26 =	simm.s32 @!p2 $0x80;
	p2 =	sgt.s32 s7, $0x1C0  }
0x5a: {  	v5 =	vld [tilespmem:s18+$0xFFFFFFD0];
	[tilespmem:s19+$0x2040 ss:$0x81] =	vst.msk $0xffff, v4;
	s28 =	sshra.s32 s7, $0x1F;
	s23 =	ssub.s32 $0x40, s30;
	s22 =	sshrl.u32 s22, $0x8  }
0x5b: {  	v58 =	vld [tilespmem:s18+$0xFFFFFFE0];
	[tilespmem:s19+$0x2850 ss:$0x81] =	vst.msk $0xffff, v3;
	p1 =	sgt.s32 s25, $0x0;
	s25 =	ssub.s32 s26, s31;
	s27 =	simm.s32 @!p2 $0x1C0  }
0x5c: {  	v59 =	vld [tilespmem:s18+$0xFFFFFFF0];
	[tilespmem:s19+$0x3060 ss:$0x81] =	vst.msk $0xffff, v2;
	s26 =	sand.u32 s28, s7;
	s29 =	smulhi.u32 $0xE38E39, s22;
	s30 =	sadd.s32 $0xFFFFFF80, s25  }
0x5d: {  	v60 =	vld [tilespmem:s18+$0x0];
	[tilespmem:s19+$0x0 ss:$0x81] =	vst.msk $0xffff, v1;
	s23 =	simm.s32 @p1 $0x0;
	s25 =	ssub.s32 $0x100, s25;
	p1 =	sgt.s32 s30, $0x7F  }
0x5e: {  	v61 =	vld [tilespmem:s18+$0x10];
	[tilespmem:s20+$0x3870 ss:$0x81] =	vst.msk $0xffff, v0;
	s21 =	sshrl.u32 s29, $0x1;
	s29 =	ssub.s32 s27, s26;
	s27 =	smul.u32 $0x4800, s10  }
0x5f: {  	v62 =	vld [tilespmem:s18+$0x20];
	[tilespmem:s20+$0x810 ss:$0x81] =	vst.msk $0xffff, v5;
	s25 =	simm.s32 @p1 $0x0;
	s26 =	sand.u32 $0x78, s9;
	s21 =	smul.u32 $0x240, s21  }
0x60: {  	v63 =	vld [tilespmem:s18+$0xFFFFFFC0];
	[tilespmem:s20+$0x1020 ss:$0x81] =	vst.msk $0xffff, v58;
	s31 =	sadd.s32 $0xFFFFFE40, s29;
	s19 =	ssub.s32 $0x240, s29;
	s23 =	smul.u32 s23, s25  }
0x61: {  	[tilespmem:s20+$0x1830 ss:$0x81] =	vst.msk $0xffff, v59;
	s18 =	sor.u32 s26, s24;
	s29 =	sand.u32 $0x7, s9;
	p2 =	sgt.s32 s31, $0x7F  }
.Ltmp4:
0x62: {  	[tilespmem:s20+$0x2040 ss:$0x81] =	vst.msk $0xffff, v60;
	s18 =	sshrl.u32 s18, $0x3;
	s19 =	simm.s32 @p2 $0x0;
	(pc) =	sbr.rel .LBB1_5-.Ltmp4, $4  }
0x63: {  	[tilespmem:s20+$0x2850 ss:$0x81] =	vst.msk $0xffff, v61;
	s28 =	sadd.s32 s2, s27;
	s21 =	ssub.s32 s22, s21;
	s19 =	smul.u32 s19, s23  }
0x64: {  	[tilespmem:s20+$0x3060 ss:$0x81] =	vst.msk $0xffff, v62;
	s30 =	sshll.u32 s29, $0x12;
	s18 =	sadd.s32 s18, s28;
	s21 =	sshll.u32 s21, $0x5  }
0x65: {  	[tilespmem:s20+$0x0 ss:$0x81] =	vst.msk $0xffff, v63;
	s31 =	sor.u32 $0x400, s30;
	s18 =	sadd.s32 s21, s18;
	s19 =	sand.u32 $0x3FFFFFFF, s19  }
0x66: {  	[hbm4b:s18+s31] =	stream.strided.scatter [tilespmem:s17], [sflag:$0x2], s19, s6, s31, $0x20;
	[tilespmem:$0x10100] =	vst v63  }
.LBB1_6:
0x67: {  	_ =	sfence.sel $0x180000  }
0x68: {  	s2 =	simm.s32 $0x1;
	[bflag:$0x0] =	sbarrier.arrive $0xFFFF  }
0x69: {  	s31 =	simm.s32 $0x2;
	[sflag:s2] =	ssyncpa.u1 $0x1  }
0x6a: {  	[sflag:s31] =	ssyncpa.u1 $0x1  }
0x6b: {  	p0 =	sne.s32 s1, $0x0;
	_ =	strace $0x9000004A  }
0x6c: {  	s0 =	sadd.s32 @!p0 $0x100000, s0;
	[bflag:$0x2] =	sbarrier.arrive $0xFFFF  }
0x6d: {  	[sflag:s0] =	ssyncadd.tile.s32 @!p0 $0x1;
	_ =	shalt  }
.Lfunc_end1:
_tile_overlayer_lowered:
.L_overlay_start_2:
0x6e: {  	(tag) =	ssettag $0x2  }
0x6f: {  	s0 =	rddreg [dreg:$0x0];
	s2 =	stileid.u32  }
0x70: {  	s1 =	rddreg [dreg:$0x1];
	p0 =	sne.s32 s2, $0x0  }
0x71: {  	s3 =	rddreg [dreg:$0x2];
	[bflag:$0x3] =	sbarrier.arrive $0xFFFF;
	s2 =	simm.s32 @!p0 $0x1C01  }
0x72: {  	[timem:s3], [sflag:s2] =	dma.local @!p0 [hbm:s0], s1  }
0x73: {  	s0 =	simm.s32 @!p0 $0x1  }
0x74: {  	_ =	swait.ge @!p0 [sflag:s0], s1  }
0x75: {  	s1 =	ssub.s32 @!p0 $0x0, s1;
	[sflag:s0] =	ssyncset.done @!p0 $0x0  }
0x76: {  	[sflag:s0] =	ssyncadd.s32 @!p0 s1  }
0x77: {  	[bflag:$0x3] =	sbarrier.arrive $0xFFFF  }
0x78: {  	_ =	shalt  }

</sc_bundles>
